<compile_context>
chip_gen: v7x
topology: tpu7x:2x2x1
jax: 0.10.2.dev20260603
libtpu: 0.0.44.dev20260713+nightly
codegen_flags: <defaults>
</compile_context>

<pallas_src>
import functools

import jax
import jax.numpy as jnp
from jax.experimental import pallas as pl
from jax.experimental.pallas import tpu as pltpu

N = 8192
M = 8192
D_FEAT = 128
C = 64
TR = 256
TC = 256
NI = N // TR
NJ = M // TC


def _chamfer_band_kernel(sicl_s_ref, so_ref, eo_ref,
                         in_ref, incl_ref, out_ref, outcl_ref,
                         loss_ref, colmin_ref):
    nb = sicl_s_ref[N - 1]
    colmin_ref[...] = jnp.full((NJ, TC), jnp.inf, jnp.float32)

    def row_tile(t, acc):
        a = in_ref[pl.ds(t * TR, TR), :]
        a_sq = jnp.sum(a * a, axis=1)
        a16 = a.astype(jnp.bfloat16)
        icl = incl_ref[0, pl.ds(t * TR, TR)]

        c_lo = sicl_s_ref[t * TR]
        c_hi = sicl_s_ref[t * TR + TR - 1]
        jlo = so_ref[c_lo] // TC
        jhi = (eo_ref[c_hi] + TC - 1) // TC

        def body(j, rmin):
            b = out_ref[pl.ds(j * TC, TC), :]
            b_sq = jnp.sum(b * b, axis=1)
            ab = jax.lax.dot_general(
                a16, b.astype(jnp.bfloat16),
                (((1,), (1,)), ((), ())), preferred_element_type=jnp.float32)
            dist = a_sq[:, None] + b_sq[None, :] - 2.0 * ab
            ocl = outcl_ref[0, pl.ds(j * TC, TC)]
            dist = jnp.where(icl[:, None] == ocl[None, :], dist, jnp.inf)
            colmin_ref[j, :] = jnp.minimum(colmin_ref[j, :],
                                           jnp.min(dist, axis=0))
            return jnp.minimum(rmin, jnp.min(dist, axis=1))

        rmin0 = jnp.full((TR,), jnp.inf, jnp.float32)
        rmin = jax.lax.fori_loop(jlo, jhi, body, rmin0)
        return acc + jnp.sum(jnp.where(icl < nb, rmin, 0.0))

    loss = jax.lax.fori_loop(0, NI, row_tile, jnp.float32(0.0))

    def creduce(j, acc):
        ocl = outcl_ref[0, pl.ds(j * TC, TC)]
        return acc + jnp.sum(jnp.where(ocl < nb, colmin_ref[j, :], 0.0))

    loss_ref[0, 0] = loss + jax.lax.fori_loop(0, NJ, creduce,
                                              jnp.float32(0.0))


@jax.jit
def kernel(input_points, input_clusters, output_points, output_clusters):
    in_pts = input_points[0]
    out_pts = output_points[0]
    icl = input_clusters[0]
    ocl = output_clusters[0]

    sicl, order_in = jax.lax.sort([icl, jnp.arange(N, dtype=jnp.int32)],
                                  num_keys=1)
    socl, order_out = jax.lax.sort([ocl, jnp.arange(M, dtype=jnp.int32)],
                                   num_keys=1)
    sin = jnp.take(in_pts, order_in, axis=0)
    sout = jnp.take(out_pts, order_out, axis=0)

    cids = jnp.arange(C, dtype=jnp.int32)
    starts_out = jnp.searchsorted(socl, cids, side="left").astype(jnp.int32)
    ends_out = jnp.searchsorted(socl, cids, side="right").astype(jnp.int32)

    grid_spec = pltpu.PrefetchScalarGridSpec(
        num_scalar_prefetch=3,
        grid=(1,),
        in_specs=[
            pl.BlockSpec((N, D_FEAT), lambda i, *_: (0, 0)),
            pl.BlockSpec((1, N), lambda i, *_: (0, 0)),
            pl.BlockSpec((M, D_FEAT), lambda i, *_: (0, 0)),
            pl.BlockSpec((1, M), lambda i, *_: (0, 0)),
        ],
        out_specs=pl.BlockSpec(memory_space=pltpu.SMEM),
        scratch_shapes=[
            pltpu.VMEM((NJ, TC), jnp.float32),
        ],
    )
    loss = pl.pallas_call(
        _chamfer_band_kernel,
        grid_spec=grid_spec,
        out_shape=jax.ShapeDtypeStruct((1, 1), jnp.float32),
        compiler_params=pltpu.CompilerParams(
            dimension_semantics=("arbitrary",)),
    )(sicl, starts_out, ends_out,
      sin, sicl.reshape(1, N), sout, socl.reshape(1, M))
    return loss[0, 0]

# --- scband reference (transcript-rebuilt; emitter-appended) ---
"""Pipeline reference for scband-chamfer-dist-loss-full-network-42820823941123 (READ-ONLY COPY).

The authoritative reference and input builder live on the scoring server;
editing this copy changes nothing except your own understanding.
"""

import jax, jax.numpy as jnp
import numpy as np

N = 8192
M = 8192
D_FEAT = 128
C = 64


def setup_inputs(seed: int = 0) -> dict:
    key = jax.random.key(seed)
    k1, k2, k3, k4 = jax.random.split(key, 4)
    input_points = jax.random.normal(k1, (1, N, D_FEAT), dtype=jnp.float32)
    output_points = jax.random.normal(k2, (1, M, D_FEAT), dtype=jnp.float32)
    input_clusters = jax.random.randint(k3, (1, N), 0, C, dtype=jnp.int32)
    output_clusters = jax.random.randint(k4, (1, M), 0, C, dtype=jnp.int32)
    # guarantee every cluster id 0..C-1 is present in both clouds so that
    # max(input_clusters) == max(output_clusters) == C-1 (torch assert) and no
    # processed cluster is empty on either side
    cov = jnp.arange(C, dtype=jnp.int32)
    input_clusters = input_clusters.at[0, :C].set(cov)
    output_clusters = output_clusters.at[0, :C].set(cov)
    return {
        "input_points": input_points,
        "input_clusters": input_clusters,
        "output_points": output_points,
        "output_clusters": output_clusters,
    }


def _chamfer_all(in_pts, in_cl, out_pts, out_cl):
    # nb_clusters = torch.max(input_clusters); the torch loop runs i in
    # range(nb_clusters), so points in cluster == nb_clusters are SKIPPED.
    nb = jnp.max(in_cl)
    # squared euclidean distances D[j, k] = sum((in_pts[j] - out_pts[k])**2),
    # computed via the |a|^2 + |b|^2 - 2ab expansion (same math, matmul form).
    in_sq = jnp.sum(in_pts * in_pts, axis=1)
    out_sq = jnp.sum(out_pts * out_pts, axis=1)
    D = in_sq[:, None] + out_sq[None, :] - 2.0 * (in_pts @ out_pts.T)
    # distances were computed under torch.no_grad()
    D = jax.lax.stop_gradient(D)
    # per-cluster boolean indexing -> masked argmin restricted to same cluster
    same = in_cl[:, None] == out_cl[None, :]
    Dm = jnp.where(same, D, jnp.float32(np.inf))
    # direction 1: for each input point, nearest output point in same cluster
    idx_out = jnp.argmin(Dm, axis=1)
    nearest_out = jnp.take(out_pts, idx_out, axis=0)
    mask_in = (in_cl < nb)
    loss1 = jnp.sum(jnp.where(mask_in[:, None], (in_pts - nearest_out) ** 2, 0.0))
    # direction 2: for each output point, nearest input point in same cluster
    idx_in = jnp.argmin(Dm, axis=0)
    nearest_in = jnp.take(in_pts, idx_in, axis=0)
    mask_out = (out_cl < nb)
    loss2 = jnp.sum(jnp.where(mask_out[:, None], (out_pts - nearest_in) ** 2, 0.0))
    return loss1 + loss2


def reference(input_points, input_clusters, output_points, output_clusters):
    # torch forward receives parameter_list and unwraps each element with [0]
    return _chamfer_all(
        input_points[0], input_clusters[0], output_points[0], output_clusters[0]
    )

if __name__ == "__main__":
    import jax
    _d = setup_inputs()
    print(jax.jit(kernel)(*tuple(_d.values())))

</pallas_src>

<mosaic_0001>
module attributes {stable_mosaic.version = 14 : i64} {
  func.func @_chamfer_band_kernel(%arg0: i32, %arg1: memref<8192xi32, #tpu.memory_space<smem>>, %arg2: memref<64xi32, #tpu.memory_space<smem>>, %arg3: memref<64xi32, #tpu.memory_space<smem>>, %arg4: memref<8192x128xf32, #tpu.memory_space<vmem>>, %arg5: memref<1x8192xi32, #tpu.memory_space<vmem>>, %arg6: memref<8192x128xf32, #tpu.memory_space<vmem>>, %arg7: memref<1x8192xi32, #tpu.memory_space<vmem>>, %arg8: memref<1x1xf32, #tpu.memory_space<smem>>, %arg9: memref<32x256xf32, #tpu.memory_space<vmem>>) attributes {dimension_semantics = [#tpu.dimension_semantics<arbitrary>], iteration_bounds = array<i64: 1>, scalar_prefetch = 3 : i64, scratch_operands = 1 : i64, tpu.core_type = #tpu.core_type<tc>, window_params = [{pipeline_mode = #tpu.pipeline_mode<synchronous>, transform_indices = @transform_0, window_bounds = array<i64: 8192, 128>}, {pipeline_mode = #tpu.pipeline_mode<synchronous>, transform_indices = @transform_1, window_bounds = array<i64: 1, 8192>}, {pipeline_mode = #tpu.pipeline_mode<synchronous>, transform_indices = @transform_2, window_bounds = array<i64: 8192, 128>}, {pipeline_mode = #tpu.pipeline_mode<synchronous>, transform_indices = @transform_3, window_bounds = array<i64: 1, 8192>}, {transform_indices = @transform_4, window_bounds = array<i64: 1, 1>}]} {
    %get3A = arith.constant 8191 : index
    %get3A_0 = memref.load %arg1[%get3A] : memref<8192xi32, #tpu.memory_space<smem>>
    %broadcast_in_dim3A = arith.constant 0x7F800000 : f32
    %broadcast_in_dim3A_1 = vector.broadcast %broadcast_in_dim3A : f32 to vector<32x256xf32>
    %swap3A = arith.constant 0 : index
    %swap3A_2 = arith.constant 0 : index
    %swap3A_3 = vector.load %arg9[%swap3A, %swap3A_2] : memref<32x256xf32, #tpu.memory_space<vmem>>, vector<32x256xf32>
    tpu.vector_store %arg9[%swap3A, %swap3A_2], %broadcast_in_dim3A_1 {strides = array<i32>} : memref<32x256xf32, #tpu.memory_space<vmem>>, vector<32x256xf32>,
    %scan3A = arith.constant 0.000000e+00 : f32
    %scan3A_4 = arith.constant 0 : i32
    %scan3A_5 = arith.constant 32 : i32
    %scan3A_6 = arith.addi %scan3A_4, %scan3A_5 : i32
    %scan3A_7 = arith.constant 1 : i32
    %scan3A_8 = scf.for %scan3A_20 = %scan3A_4 to %scan3A_6 step %scan3A_7 iter_args(%scan3A_21 = %scan3A) -> (f32)  : i32 {
      %mul3A = arith.constant 256 : i32
      %mul3A_22 = arith.muli %scan3A_20, %mul3A : i32
      %get3A_23 = arith.index_cast %mul3A_22 : i32 to index
      %get3A_24 = arith.constant 0 : index
      %get3A_25 = vector.load %arg4[%get3A_23, %get3A_24] : memref<8192x128xf32, #tpu.memory_space<vmem>>, vector<256x128xf32>
      %mul3A_26 = arith.mulf %get3A_25, %get3A_25 : vector<256x128xf32>
      %reduce_sum3A = arith.constant dense<0.000000e+00> : vector<256xf32>
      %reduce_sum3A_27 = vector.multi_reduction <add>, %mul3A_26, %reduce_sum3A [1] : vector<256x128xf32> to vector<256xf32>
      %convert_element_type3A = arith.truncf %get3A_25 : vector<256x128xf32> to vector<256x128xbf16>
      %mul3A_28 = arith.constant 256 : i32
      %mul3A_29 = arith.muli %scan3A_20, %mul3A_28 : i32
      %get3A_30 = arith.constant 0 : index
      %get3A_31 = arith.index_cast %mul3A_29 : i32 to index
      %get3A_32 = vector.load %arg5[%get3A_30, %get3A_31] : memref<1x8192xi32, #tpu.memory_space<vmem>>, vector<1x256xi32>
      %get3A_33 = vector.shape_cast %get3A_32 : vector<1x256xi32> to vector<256xi32>
      %mul3A_34 = arith.constant 256 : i32
      %mul3A_35 = arith.muli %scan3A_20, %mul3A_34 : i32
      %get3A_36 = arith.index_cast %mul3A_35 : i32 to index
      %get3A_37 = memref.load %arg1[%get3A_36] : memref<8192xi32, #tpu.memory_space<smem>>
      %mul3A_38 = arith.constant 256 : i32
      %mul3A_39 = arith.muli %scan3A_20, %mul3A_38 : i32
      %add3A_40 = arith.constant 256 : i32
      %add3A_41 = arith.addi %mul3A_39, %add3A_40 : i32
      %sub3A = arith.constant 1 : i32
      %sub3A_42 = arith.subi %add3A_41, %sub3A : i32
      %get3A_43 = arith.index_cast %sub3A_42 : i32 to index
      %get3A_44 = memref.load %arg1[%get3A_43] : memref<8192xi32, #tpu.memory_space<smem>>
      %get3A_45 = arith.index_cast %get3A_37 : i32 to index
      %get3A_46 = memref.load %arg2[%get3A_45] : memref<64xi32, #tpu.memory_space<smem>>
      %jit3A = arith.constant 256 : i32
      %div3A = arith.divsi %get3A_46, %jit3A : i32
      %sign3A = arith.constant 0 : i32
      %sign3A_47 = arith.cmpi sgt, %get3A_46, %sign3A : i32
      %sign3A_48 = arith.extui %sign3A_47 : i1 to i32
      %sign3A_49 = arith.constant 0 : i32
      %sign3A_50 = arith.cmpi slt, %get3A_46, %sign3A_49 : i32
      %sign3A_51 = arith.extui %sign3A_50 : i1 to i32
      %sign3A_52 = arith.subi %sign3A_48, %sign3A_51 : i32
      %sign3A_53 = arith.constant 0 : i32
      %sign3A_54 = arith.cmpi sgt, %jit3A, %sign3A_53 : i32
      %sign3A_55 = arith.extui %sign3A_54 : i1 to i32
      %sign3A_56 = arith.constant 0 : i32
      %sign3A_57 = arith.cmpi slt, %jit3A, %sign3A_56 : i32
      %sign3A_58 = arith.extui %sign3A_57 : i1 to i32
      %sign3A_59 = arith.subi %sign3A_55, %sign3A_58 : i32
      %ne3A = arith.cmpi ne, %sign3A_52, %sign3A_59 : i32
      %rem3A = arith.remsi %get3A_46, %jit3A : i32
      %ne3A_60 = arith.constant 0 : i32
      %ne3A_61 = arith.cmpi ne, %rem3A, %ne3A_60 : i32
      %and3A = arith.andi %ne3A, %ne3A_61 : i1
      %sub3A_62 = arith.constant 1 : i32
      %sub3A_63 = arith.subi %div3A, %sub3A_62 : i32
      %select_n3A = arith.select %and3A, %sub3A_63, %div3A : i32
      %get3A_64 = arith.index_cast %get3A_44 : i32 to index
      %get3A_65 = memref.load %arg3[%get3A_64] : memref<64xi32, #tpu.memory_space<smem>>
      %add3A_66 = arith.constant 256 : i32
      %add3A_67 = arith.addi %get3A_65, %add3A_66 : i32
      %sub3A_68 = arith.constant 1 : i32
      %sub3A_69 = arith.subi %add3A_67, %sub3A_68 : i32
      %jit3A_70 = arith.constant 256 : i32
      %div3A_71 = arith.divsi %sub3A_69, %jit3A_70 : i32
      %sign3A_72 = arith.constant 0 : i32
      %sign3A_73 = arith.cmpi sgt, %sub3A_69, %sign3A_72 : i32
      %sign3A_74 = arith.extui %sign3A_73 : i1 to i32
      %sign3A_75 = arith.constant 0 : i32
      %sign3A_76 = arith.cmpi slt, %sub3A_69, %sign3A_75 : i32
      %sign3A_77 = arith.extui %sign3A_76 : i1 to i32
      %sign3A_78 = arith.subi %sign3A_74, %sign3A_77 : i32
      %sign3A_79 = arith.constant 0 : i32
      %sign3A_80 = arith.cmpi sgt, %jit3A_70, %sign3A_79 : i32
      %sign3A_81 = arith.extui %sign3A_80 : i1 to i32
      %sign3A_82 = arith.constant 0 : i32
      %sign3A_83 = arith.cmpi slt, %jit3A_70, %sign3A_82 : i32
      %sign3A_84 = arith.extui %sign3A_83 : i1 to i32
      %sign3A_85 = arith.subi %sign3A_81, %sign3A_84 : i32
      %ne3A_86 = arith.cmpi ne, %sign3A_78, %sign3A_85 : i32
      %rem3A_87 = arith.remsi %sub3A_69, %jit3A_70 : i32
      %ne3A_88 = arith.constant 0 : i32
      %ne3A_89 = arith.cmpi ne, %rem3A_87, %ne3A_88 : i32
      %and3A_90 = arith.andi %ne3A_86, %ne3A_89 : i1
      %sub3A_91 = arith.constant 1 : i32
      %sub3A_92 = arith.subi %div3A_71, %sub3A_91 : i32
      %select_n3A_93 = arith.select %and3A_90, %sub3A_92, %div3A_71 : i32
      %broadcast_in_dim3A_94 = arith.constant 0x7F800000 : f32
      %broadcast_in_dim3A_95 = vector.broadcast %broadcast_in_dim3A_94 : f32 to vector<256xf32>
      %while3A = arith.subi %select_n3A_93, %select_n3A : i32
      %while3A_96 = arith.addi %select_n3A, %while3A : i32
      %while3A_97 = arith.constant 1 : i32
      %while3A_98 = arith.divsi %while3A, %while3A_97 : i32
      %while3A_99 = arith.muli %while3A_98, %while3A_97 : i32
      %while3A_100 = arith.addi %select_n3A, %while3A_99 : i32
      %while3A_101 = arith.constant 1 : i32
      %while3A_102 = scf.for %while3A_115 = %select_n3A to %while3A_100 step %while3A_101 iter_args(%while3A_116 = %broadcast_in_dim3A_95) -> (vector<256xf32>)  : i32 {
        %mul3A_117 = arith.constant 256 : i32
        %mul3A_118 = arith.muli %while3A_115, %mul3A_117 : i32
        %get3A_119 = arith.index_cast %mul3A_118 : i32 to index
        %get3A_120 = arith.constant 0 : index
        %get3A_121 = vector.load %arg6[%get3A_119, %get3A_120] : memref<8192x128xf32, #tpu.memory_space<vmem>>, vector<256x128xf32>
        %mul3A_122 = arith.mulf %get3A_121, %get3A_121 : vector<256x128xf32>
        %reduce_sum3A_123 = arith.constant dense<0.000000e+00> : vector<256xf32>
        %reduce_sum3A_124 = vector.multi_reduction <add>, %mul3A_122, %reduce_sum3A_123 [1] : vector<256x128xf32> to vector<256xf32>
        %convert_element_type3A_125 = arith.truncf %get3A_121 : vector<256x128xf32> to vector<256x128xbf16>
        %dot_general3A = arith.constant dense<0.000000e+00> : vector<256x256xf32>
        %dot_general3A_126 = tpu.matmul %convert_element_type3A, %convert_element_type3A_125, %dot_general3A {dimension_numbers = #tpu.dot_dimension_numbers<[1], [1], [0], [0], [0, 0, 1, 0], [], []>, transpose_lhs_hint = false} : vector<256x128xbf16>, vector<256x128xbf16>, vector<256x256xf32> -> vector<256x256xf32>
        %broadcast_in_dim3A_127 = vector.shape_cast %reduce_sum3A_27 : vector<256xf32> to vector<256x1xf32>
        %broadcast_in_dim3A_128 = vector.shape_cast %reduce_sum3A_124 : vector<256xf32> to vector<1x256xf32>
        %add3A_129 = vector.broadcast %broadcast_in_dim3A_127 : vector<256x1xf32> to vector<256x256xf32>
        %add3A_130 = vector.broadcast %broadcast_in_dim3A_128 : vector<1x256xf32> to vector<256x256xf32>
        %add3A_131 = arith.addf %add3A_129, %add3A_130 : vector<256x256xf32>
        %mul3A_132 = arith.constant 2.000000e+00 : f32
        %mul3A_133 = vector.broadcast %mul3A_132 : f32 to vector<256x256xf32>
        %mul3A_134 = arith.mulf %mul3A_133, %dot_general3A_126 : vector<256x256xf32>
        %sub3A_135 = arith.subf %add3A_131, %mul3A_134 : vector<256x256xf32>
        %mul3A_136 = arith.constant 256 : i32
        %mul3A_137 = arith.muli %while3A_115, %mul3A_136 : i32
        %get3A_138 = arith.constant 0 : index
        %get3A_139 = arith.index_cast %mul3A_137 : i32 to index
        %get3A_140 = vector.load %arg7[%get3A_138, %get3A_139] : memref<1x8192xi32, #tpu.memory_space<vmem>>, vector<1x256xi32>
        %get3A_141 = vector.shape_cast %get3A_140 : vector<1x256xi32> to vector<256xi32>
        %broadcast_in_dim3A_142 = vector.shape_cast %get3A_33 : vector<256xi32> to vector<256x1xi32>
        %broadcast_in_dim3A_143 = vector.shape_cast %get3A_141 : vector<256xi32> to vector<1x256xi32>
        %eq3A = vector.broadcast %broadcast_in_dim3A_142 : vector<256x1xi32> to vector<256x256xi32>
        %eq3A_144 = vector.broadcast %broadcast_in_dim3A_143 : vector<1x256xi32> to vector<256x256xi32>
        %eq3A_145 = arith.cmpi eq, %eq3A, %eq3A_144 : vector<256x256xi32>
        %jit3A_146 = arith.constant 0x7F800000 : f32
        %broadcast_in_dim3A_147 = vector.broadcast %jit3A_146 : f32 to vector<256x256xf32>
        %select_n3A_148 = arith.select %eq3A_145, %sub3A_135, %broadcast_in_dim3A_147 : vector<256x256xi1>, vector<256x256xf32>
        %get3A_149 = arith.index_cast %while3A_115 : i32 to index
        %get3A_150 = arith.constant 0 : index
        %get3A_151 = vector.load %arg9[%get3A_149, %get3A_150] : memref<32x256xf32, #tpu.memory_space<vmem>>, vector<1x256xf32>
        %get3A_152 = vector.shape_cast %get3A_151 : vector<1x256xf32> to vector<256xf32>
        %reduce_min3A = arith.constant dense<0x7F800000> : vector<256xf32>
        %reduce_min3A_153 = vector.multi_reduction <minimumf>, %select_n3A_148, %reduce_min3A [0] : vector<256x256xf32> to vector<256xf32>
        %min3A = arith.minimumf %get3A_152, %reduce_min3A_153 : vector<256xf32>
        %swap3A_154 = arith.index_cast %while3A_115 : i32 to index
        %swap3A_155 = arith.constant 0 : index
        %swap3A_156 = vector.load %arg9[%swap3A_154, %swap3A_155] : memref<32x256xf32, #tpu.memory_space<vmem>>, vector<1x256xf32>
        %swap3A_157 = vector.shape_cast %swap3A_156 : vector<1x256xf32> to vector<256xf32>
        %swap3A_158 = vector.shape_cast %min3A : vector<256xf32> to vector<1x256xf32>
        tpu.vector_store %arg9[%swap3A_154, %swap3A_155], %swap3A_158 {strides = array<i32>} : memref<32x256xf32, #tpu.memory_space<vmem>>, vector<1x256xf32>,
        %reduce_min3A_159 = arith.constant dense<0x7F800000> : vector<256xf32>
        %reduce_min3A_160 = vector.multi_reduction <minimumf>, %select_n3A_148, %reduce_min3A_159 [1] : vector<256x256xf32> to vector<256xf32>
        %min3A_161 = arith.minimumf %while3A_116, %reduce_min3A_160 : vector<256xf32>
        scf.yield %min3A_161 : vector<256xf32>
      }
      %while3A_103 = arith.constant 1 : i32
      %while3A_104 = scf.for %while3A_115 = %while3A_100 to %while3A_96 step %while3A_103 iter_args(%while3A_116 = %while3A_102) -> (vector<256xf32>)  : i32 {
        %mul3A_117 = arith.constant 256 : i32
        %mul3A_118 = arith.muli %while3A_115, %mul3A_117 : i32
        %get3A_119 = arith.index_cast %mul3A_118 : i32 to index
        %get3A_120 = arith.constant 0 : index
        %get3A_121 = vector.load %arg6[%get3A_119, %get3A_120] : memref<8192x128xf32, #tpu.memory_space<vmem>>, vector<256x128xf32>
        %mul3A_122 = arith.mulf %get3A_121, %get3A_121 : vector<256x128xf32>
        %reduce_sum3A_123 = arith.constant dense<0.000000e+00> : vector<256xf32>
        %reduce_sum3A_124 = vector.multi_reduction <add>, %mul3A_122, %reduce_sum3A_123 [1] : vector<256x128xf32> to vector<256xf32>
        %convert_element_type3A_125 = arith.truncf %get3A_121 : vector<256x128xf32> to vector<256x128xbf16>
        %dot_general3A = arith.constant dense<0.000000e+00> : vector<256x256xf32>
        %dot_general3A_126 = tpu.matmul %convert_element_type3A, %convert_element_type3A_125, %dot_general3A {dimension_numbers = #tpu.dot_dimension_numbers<[1], [1], [0], [0], [0, 0, 1, 0], [], []>, transpose_lhs_hint = false} : vector<256x128xbf16>, vector<256x128xbf16>, vector<256x256xf32> -> vector<256x256xf32>
        %broadcast_in_dim3A_127 = vector.shape_cast %reduce_sum3A_27 : vector<256xf32> to vector<256x1xf32>
        %broadcast_in_dim3A_128 = vector.shape_cast %reduce_sum3A_124 : vector<256xf32> to vector<1x256xf32>
        %add3A_129 = vector.broadcast %broadcast_in_dim3A_127 : vector<256x1xf32> to vector<256x256xf32>
        %add3A_130 = vector.broadcast %broadcast_in_dim3A_128 : vector<1x256xf32> to vector<256x256xf32>
        %add3A_131 = arith.addf %add3A_129, %add3A_130 : vector<256x256xf32>
        %mul3A_132 = arith.constant 2.000000e+00 : f32
        %mul3A_133 = vector.broadcast %mul3A_132 : f32 to vector<256x256xf32>
        %mul3A_134 = arith.mulf %mul3A_133, %dot_general3A_126 : vector<256x256xf32>
        %sub3A_135 = arith.subf %add3A_131, %mul3A_134 : vector<256x256xf32>
        %mul3A_136 = arith.constant 256 : i32
        %mul3A_137 = arith.muli %while3A_115, %mul3A_136 : i32
        %get3A_138 = arith.constant 0 : index
        %get3A_139 = arith.index_cast %mul3A_137 : i32 to index
        %get3A_140 = vector.load %arg7[%get3A_138, %get3A_139] : memref<1x8192xi32, #tpu.memory_space<vmem>>, vector<1x256xi32>
        %get3A_141 = vector.shape_cast %get3A_140 : vector<1x256xi32> to vector<256xi32>
        %broadcast_in_dim3A_142 = vector.shape_cast %get3A_33 : vector<256xi32> to vector<256x1xi32>
        %broadcast_in_dim3A_143 = vector.shape_cast %get3A_141 : vector<256xi32> to vector<1x256xi32>
        %eq3A = vector.broadcast %broadcast_in_dim3A_142 : vector<256x1xi32> to vector<256x256xi32>
        %eq3A_144 = vector.broadcast %broadcast_in_dim3A_143 : vector<1x256xi32> to vector<256x256xi32>
        %eq3A_145 = arith.cmpi eq, %eq3A, %eq3A_144 : vector<256x256xi32>
        %jit3A_146 = arith.constant 0x7F800000 : f32
        %broadcast_in_dim3A_147 = vector.broadcast %jit3A_146 : f32 to vector<256x256xf32>
        %select_n3A_148 = arith.select %eq3A_145, %sub3A_135, %broadcast_in_dim3A_147 : vector<256x256xi1>, vector<256x256xf32>
        %get3A_149 = arith.index_cast %while3A_115 : i32 to index
        %get3A_150 = arith.constant 0 : index
        %get3A_151 = vector.load %arg9[%get3A_149, %get3A_150] : memref<32x256xf32, #tpu.memory_space<vmem>>, vector<1x256xf32>
        %get3A_152 = vector.shape_cast %get3A_151 : vector<1x256xf32> to vector<256xf32>
        %reduce_min3A = arith.constant dense<0x7F800000> : vector<256xf32>
        %reduce_min3A_153 = vector.multi_reduction <minimumf>, %select_n3A_148, %reduce_min3A [0] : vector<256x256xf32> to vector<256xf32>
        %min3A = arith.minimumf %get3A_152, %reduce_min3A_153 : vector<256xf32>
        %swap3A_154 = arith.index_cast %while3A_115 : i32 to index
        %swap3A_155 = arith.constant 0 : index
        %swap3A_156 = vector.load %arg9[%swap3A_154, %swap3A_155] : memref<32x256xf32, #tpu.memory_space<vmem>>, vector<1x256xf32>
        %swap3A_157 = vector.shape_cast %swap3A_156 : vector<1x256xf32> to vector<256xf32>
        %swap3A_158 = vector.shape_cast %min3A : vector<256xf32> to vector<1x256xf32>
        tpu.vector_store %arg9[%swap3A_154, %swap3A_155], %swap3A_158 {strides = array<i32>} : memref<32x256xf32, #tpu.memory_space<vmem>>, vector<1x256xf32>,
        %reduce_min3A_159 = arith.constant dense<0x7F800000> : vector<256xf32>
        %reduce_min3A_160 = vector.multi_reduction <minimumf>, %select_n3A_148, %reduce_min3A_159 [1] : vector<256x256xf32> to vector<256xf32>
        %min3A_161 = arith.minimumf %while3A_116, %reduce_min3A_160 : vector<256xf32>
        scf.yield %min3A_161 : vector<256xf32>
      }
      %lt3A = vector.broadcast %get3A_0 : i32 to vector<256xi32>
      %lt3A_105 = arith.cmpi slt, %get3A_33, %lt3A : vector<256xi32>
      %jit3A_106 = arith.constant 0.000000e+00 : f32
      %broadcast_in_dim3A_107 = vector.broadcast %jit3A_106 : f32 to vector<256xf32>
      %select_n3A_108 = arith.select %lt3A_105, %while3A_104, %broadcast_in_dim3A_107 : vector<256xi1>, vector<256xf32>
      %reduce_sum3A_109 = vector.shape_cast %select_n3A_108 : vector<256xf32> to vector<1x256xf32>
      %reduce_sum3A_110 = arith.constant dense<0.000000e+00> : vector<1xf32>
      %reduce_sum3A_111 = vector.multi_reduction <add>, %reduce_sum3A_109, %reduce_sum3A_110 [1] : vector<1x256xf32> to vector<1xf32>
      %reduce_sum3A_112 = vector.shape_cast %reduce_sum3A_111 : vector<1xf32> to vector<1x1xf32>
      %reduce_sum3A_113 = vector.extract %reduce_sum3A_112[0, 0] : f32 from vector<1x1xf32>
      %add3A_114 = arith.addf %scan3A_21, %reduce_sum3A_113 : f32
      scf.yield %add3A_114 : f32
    }
    %scan3A_9 = arith.constant 32 : i32
    %scan3A_10 = arith.constant 0.000000e+00 : f32
    %scan3A_11 = arith.constant 0 : i32
    %scan3A_12 = arith.constant 32 : i32
    %scan3A_13 = arith.addi %scan3A_11, %scan3A_12 : i32
    %scan3A_14 = arith.constant 1 : i32
    %scan3A_15 = scf.for %scan3A_20 = %scan3A_11 to %scan3A_13 step %scan3A_14 iter_args(%scan3A_21 = %scan3A_10) -> (f32)  : i32 {
      %mul3A = arith.constant 256 : i32
      %mul3A_22 = arith.muli %scan3A_20, %mul3A : i32
      %get3A_23 = arith.constant 0 : index
      %get3A_24 = arith.index_cast %mul3A_22 : i32 to index
      %get3A_25 = vector.load %arg7[%get3A_23, %get3A_24] : memref<1x8192xi32, #tpu.memory_space<vmem>>, vector<1x256xi32>
      %get3A_26 = vector.shape_cast %get3A_25 : vector<1x256xi32> to vector<256xi32>
      %lt3A = vector.broadcast %get3A_0 : i32 to vector<256xi32>
      %lt3A_27 = arith.cmpi slt, %get3A_26, %lt3A : vector<256xi32>
      %get3A_28 = arith.index_cast %scan3A_20 : i32 to index
      %get3A_29 = arith.constant 0 : index
      %get3A_30 = vector.load %arg9[%get3A_28, %get3A_29] : memref<32x256xf32, #tpu.memory_space<vmem>>, vector<1x256xf32>
      %get3A_31 = vector.shape_cast %get3A_30 : vector<1x256xf32> to vector<256xf32>
      %jit3A = arith.constant 0.000000e+00 : f32
      %broadcast_in_dim3A_32 = vector.broadcast %jit3A : f32 to vector<256xf32>
      %select_n3A = arith.select %lt3A_27, %get3A_31, %broadcast_in_dim3A_32 : vector<256xi1>, vector<256xf32>
      %reduce_sum3A = vector.shape_cast %select_n3A : vector<256xf32> to vector<1x256xf32>
      %reduce_sum3A_33 = arith.constant dense<0.000000e+00> : vector<1xf32>
      %reduce_sum3A_34 = vector.multi_reduction <add>, %reduce_sum3A, %reduce_sum3A_33 [1] : vector<1x256xf32> to vector<1xf32>
      %reduce_sum3A_35 = vector.shape_cast %reduce_sum3A_34 : vector<1xf32> to vector<1x1xf32>
      %reduce_sum3A_36 = vector.extract %reduce_sum3A_35[0, 0] : f32 from vector<1x1xf32>
      %add3A_37 = arith.addf %scan3A_21, %reduce_sum3A_36 : f32
      scf.yield %add3A_37 : f32
    }
    %scan3A_16 = arith.constant 32 : i32
    %add3A = arith.addf %scan3A_8, %scan3A_15 : f32
    %swap3A_17 = arith.constant 0 : index
    %swap3A_18 = arith.constant 0 : index
    %swap3A_19 = memref.load %arg8[%swap3A_17, %swap3A_18] : memref<1x1xf32, #tpu.memory_space<smem>>
    memref.store %add3A, %arg8[%swap3A_17, %swap3A_18] : memref<1x1xf32, #tpu.memory_space<smem>>
    return
  }
  func.func @transform_0(%arg0: i32, %arg1: memref<8192xi32, #tpu.memory_space<smem>>, %arg2: memref<64xi32, #tpu.memory_space<smem>>, %arg3: memref<64xi32, #tpu.memory_space<smem>>) -> (i32, i32) {
    %c0_i32 = arith.constant 0 : i32
    %c0_i32_0 = arith.constant 0 : i32
    %c0_i32_1 = arith.constant 0 : i32
    return %c0_i32, %c0_i32_0 : i32, i32
  }
  func.func @transform_1(%arg0: i32, %arg1: memref<8192xi32, #tpu.memory_space<smem>>, %arg2: memref<64xi32, #tpu.memory_space<smem>>, %arg3: memref<64xi32, #tpu.memory_space<smem>>) -> (i32, i32) {
    %c0_i32 = arith.constant 0 : i32
    %c0_i32_0 = arith.constant 0 : i32
    %c0_i32_1 = arith.constant 0 : i32
    return %c0_i32, %c0_i32_0 : i32, i32
  }
  func.func @transform_2(%arg0: i32, %arg1: memref<8192xi32, #tpu.memory_space<smem>>, %arg2: memref<64xi32, #tpu.memory_space<smem>>, %arg3: memref<64xi32, #tpu.memory_space<smem>>) -> (i32, i32) {
    %c0_i32 = arith.constant 0 : i32
    %c0_i32_0 = arith.constant 0 : i32
    %c0_i32_1 = arith.constant 0 : i32
    return %c0_i32, %c0_i32_0 : i32, i32
  }
  func.func @transform_3(%arg0: i32, %arg1: memref<8192xi32, #tpu.memory_space<smem>>, %arg2: memref<64xi32, #tpu.memory_space<smem>>, %arg3: memref<64xi32, #tpu.memory_space<smem>>) -> (i32, i32) {
    %c0_i32 = arith.constant 0 : i32
    %c0_i32_0 = arith.constant 0 : i32
    %c0_i32_1 = arith.constant 0 : i32
    return %c0_i32, %c0_i32_0 : i32, i32
  }
  func.func @transform_4(%arg0: i32, %arg1: memref<8192xi32, #tpu.memory_space<smem>>, %arg2: memref<64xi32, #tpu.memory_space<smem>>, %arg3: memref<64xi32, #tpu.memory_space<smem>>) -> (i32, i32) {
    %c0_i32 = arith.constant 0 : i32
    %c0_i32_0 = arith.constant 0 : i32
    %c0_i32_1 = arith.constant 0 : i32
    return %c0_i32, %c0_i32_0 : i32, i32
  }
}

</mosaic_0001>

<sc_bundles>
// kernel: gather_offload_async_start.1
scs
__scs_entry_jumppad:
0x0: {  	(pc) =	sbr.rel $0x88, $3  }
0x1: {  	(tag) =	ssettag $0x0;
	lr =	simm.s32 $0x1  }
0x2: {  	[smem:$0x3F9D] =	sst lr;
	_ =	strace $0xD0000000  }
0x3: {  	_ = 	snop  }
0x4: {  	_ = 	snop  }
0x5: {  	_ = 	snop  }
0x6: {  	_ = 	snop  }
0x7: {  	_ = 	snop  }
__scs_overlays_trampoline_lowered:
0x8: {  	[smem:$0x3FAC] =	sst s0  }
0x9: {  	[smem:$0x3FAD] =	sst s1  }
0xa: {  	[smem:$0x3FAE] =	sst s2  }
0xb: {  	[smem:$0x3FAF] =	sst s3  }
0xc: {  	[smem:$0x3FB0] =	sst s4  }
0xd: {  	[smem:$0x3FB1] =	sst s5  }
0xe: {  	[smem:$0x3FB2] =	sst s6  }
0xf: {  	[smem:$0x3FB3] =	sst s7  }
0x10: {  	[smem:$0x3FB4] =	sst s8  }
0x11: {  	[smem:$0x3FB5] =	sst s9;
	s0 =	simm.s32 @!p0 $0x0  }
0x12: {  	s1 =	sld [smem:$0x3F9B];
	s0 =	simm.s32 @p0 $0x1  }
0x13: {  	[smem:$0x3FB6] =	sst s0;
	s0 =	simm.s32 @!p1 $0x0  }
0x14: {  	s2 =	sld [smem:$0x3F9A];
	s0 =	simm.s32 @p1 $0x1  }
0x15: {  	[smem:$0x3FB7] =	sst s0;
	s0 =	simm.s32 @!p2 $0x0  }
0x16: {  	s3 =	sld [smem:$0x3FDB];
	s0 =	simm.s32 @p2 $0x1  }
0x17: {  	s4 =	simm.s32 $0x1BF5;
	[smem:$0x3FB9] =	sst s0  }
0x18: {  	s0 =	sld [smem:$0x3F9C];
	_ =	swait.ge [sflag:s4], $0x0  }
0x19: {  	s7 =	sld [smem:$0x3F9D]  }
0x1a: {  	s8 =	sadd.s32 $0xFFFFE003, lr  }
0x1b: {  	s9 =	sadd.s32 $0xFFFFFEF7, lr;
	s5 =	simm.s32 $0xFFFFFFFF;
	p2 =	slt.u32 s8, $0xFFFFF086  }
0x1c: {  	p1 =	slt.u32 s9, $0xF7A;
	s5 =	simm.s32 @!p2 $0x0  }
0x1d: {  	s5 =	simm.s32 @p1 $0x1;
	p0 =	seq.s32 s7, s2  }
0x1e: {  	s7 =	smul.u32 @!p0 $0xF7A, s2;
	p2 =	seq.s32 @!p0 s5, $0x0  }
0x1f: {  	s9 =	smul.u32 $0xF7A, s1;
	s8 =	simm.s32 @!p0 $0x1BF5;
	p2 =	por !p2, p0  }
0x20: {  	[sflag:s8] =	ssyncset.s32 @!p0 $0xFFFFF086;
	s6 =	sadd.s32 @!p0 s3, s7;
	s7 =	simm.s32 @!p0 $0x108  }
0x21: {  	s3 =	sadd.s32 s3, s9;
	s6 =	sadd.s32 @!p0 $0x88, s6;
	s7 =	simm.s32 @p2 $0x1082  }
0x22: {  	[simem:s7], [sflag:s8] =	dma.local @!p0 [hbm:s6], $0xF7A  }
0x23: {  	s9 =	sor.u32 $0xD0000000, s2;
	s6 =	simm.s32 $0x108;
	_ =	swait.ge @!p0 [sflag:s8], $0x0  }
0x24: {  	s3 =	sadd.s32 $0x88, s3;
	s6 =	simm.s32 @!p1 $0x1082;
	[sflag:s4] =	ssyncset.s32 $0xFFFFF086  }
0x25: {  	[simem:s6], [sflag:s4] =	dma.local [hbm:s3], $0xF7A  }
0x26: {  	[smem:$0x3F9D] =	sst s1;
	(tag) =	ssettag s2;
	_ =	strace s9  }
0x27: {  	s1 =	sld [smem:$0x3FAD]  }
0x28: {  	s2 =	sld [smem:$0x3FAE]  }
0x29: {  	s4 =	sld [smem:$0x3FB0]  }
0x2a: {  	p0 =	seq.s32 s5, $0x0;
	s5 =	sld [smem:$0x3FB1]  }
0x2b: {  	s6 =	sld [smem:$0x3FB2]  }
0x2c: {  	s7 =	sld [smem:$0x3FB3]  }
0x2d: {  	s3 =	simm.s32 $0x108;
	s8 =	sld [smem:$0x3FB4]  }
0x2e: {  	s3 =	simm.s32 @!p0 $0x1082;
	s9 =	sld [smem:$0x3FB5]  }
0x2f: {  	lr =	sadd.s32 s0, s3;
	s0 =	sld [smem:$0x3FAC]  }
0x30: {  	s3 =	sld [smem:$0x3FAF]  }
0x31: {  	[smem:$0x3FB8] =	sst s10  }
0x32: {  	s10 =	sld [smem:$0x3FB6];
	_ =	sdelay $0x3  }
0x33: {  	p0 =	seq.s32 s10, $0x1;
	s10 =	sld [smem:$0x3FB8];
	_ =	sdelay $0x3  }
0x34: {  	[smem:$0x3FB8] =	sst s10  }
0x35: {  	s10 =	sld [smem:$0x3FB7];
	_ =	sdelay $0x3  }
0x36: {  	p1 =	seq.s32 s10, $0x1;
	s10 =	sld [smem:$0x3FB8];
	_ =	sdelay $0x3  }
0x37: {  	[smem:$0x3FB8] =	sst s10  }
0x38: {  	s10 =	sld [smem:$0x3FB9]  }
0x39: {  	_ = 	snop;
	(pc) =	sbr.ind lr, $3  }
0x3a: {  	_ = 	snop  }
0x3b: {  	_ = 	snop  }
0x3c: {  	p2 =	seq.s32 s10, $0x1;
	s10 =	sld [smem:$0x3FB8]  }
0x3d: {  	_ =	shalt  }
0x3e: {  	_ =	shalt  }
0x3f: {  	_ =	shalt  }
0x40: {  	_ =	shalt  }
0x41: {  	_ =	shalt  }
0x42: {  	_ =	shalt  }
0x43: {  	_ =	shalt  }
0x44: {  	_ =	shalt  }
0x45: {  	_ =	shalt  }
0x46: {  	_ =	shalt  }
0x47: {  	_ =	shalt  }
0x48: {  	_ =	shalt  }
0x49: {  	_ =	shalt  }
0x4a: {  	_ =	shalt  }
0x4b: {  	_ =	shalt  }
0x4c: {  	_ =	shalt  }
0x4d: {  	_ =	shalt  }
0x4e: {  	_ =	shalt  }
0x4f: {  	_ =	shalt  }
0x50: {  	_ =	shalt  }
0x51: {  	_ =	shalt  }
0x52: {  	_ =	shalt  }
0x53: {  	_ =	shalt  }
0x54: {  	_ =	shalt  }
0x55: {  	_ =	shalt  }
0x56: {  	_ =	shalt  }
0x57: {  	_ =	shalt  }
0x58: {  	_ =	shalt  }
0x59: {  	_ =	shalt  }
0x5a: {  	_ =	shalt  }
0x5b: {  	_ =	shalt  }
0x5c: {  	_ =	shalt  }
0x5d: {  	_ =	shalt  }
0x5e: {  	_ =	shalt  }
0x5f: {  	_ =	shalt  }
0x60: {  	_ =	shalt  }
0x61: {  	_ =	shalt  }
0x62: {  	_ =	shalt  }
0x63: {  	_ =	shalt  }
0x64: {  	_ =	shalt  }
0x65: {  	_ =	shalt  }
0x66: {  	_ =	shalt  }
0x67: {  	_ =	shalt  }
0x68: {  	_ =	shalt  }
0x69: {  	_ =	shalt  }
0x6a: {  	_ =	shalt  }
0x6b: {  	_ =	shalt  }
0x6c: {  	_ =	shalt  }
0x6d: {  	_ =	shalt  }
0x6e: {  	_ =	shalt  }
0x6f: {  	_ =	shalt  }
0x70: {  	_ =	shalt  }
0x71: {  	_ =	shalt  }
0x72: {  	_ =	shalt  }
0x73: {  	_ =	shalt  }
0x74: {  	_ =	shalt  }
0x75: {  	_ =	shalt  }
0x76: {  	_ =	shalt  }
0x77: {  	_ =	shalt  }
0x78: {  	_ =	shalt  }
0x79: {  	_ =	shalt  }
0x7a: {  	_ =	shalt  }
0x7b: {  	_ =	shalt  }
0x7c: {  	_ =	shalt  }
0x7d: {  	_ =	shalt  }
0x7e: {  	_ =	shalt  }
0x7f: {  	_ =	shalt  }
0x80: {  	_ =	shalt  }
0x81: {  	_ =	shalt  }
0x82: {  	_ =	shalt  }
0x83: {  	_ =	shalt  }
0x84: {  	_ =	shalt  }
0x85: {  	_ =	shalt  }
0x86: {  	_ =	shalt  }
0x87: {  	_ =	shalt  }
.Lfunc_end0:
.L_simem_size_0:
called_computation.1_lowered:
.L_overlay_start_0:
0x88: {  	s2 =	sld [smem:$0x3FD9]  }
0x89: {  	s3 =	sld [smem:$0x3FFE];
	_ =	sdelay $0x1  }
0x8a: {  	s1 =	srdreg.scid  }
0x8b: {  	s0 =	sand.u32 $0x1, s1  }
0x8c: {  	s17 =	sshll.u32 s0, $0xA;
	s2 =	sadd.s32 s3, s2  }
0x8d: {  	s2 =	sadd.s32 s2, s17  }
0x8e: {  	[smem:$0x3FC4] =	sst s2  }
0x8f: {  	_ = 	snop  }
0x90: {  	s18 =	sld [smem:$0x3FC7];
	(tm) =	ssettm $0x1  }
0x91: {  	s19 =	sld [smem:$0x3FFB];
	_ =	sdelay $0x3  }
0x92: {  	_ =	strace s19  }
0x93: {  	s2 =	sld [smem:$0x3FFC];
	_ =	sdelay $0x3  }
0x94: {  	_ =	strace s2  }
0x95: {  	s2 =	sld [smem:$0x3FFD];
	_ =	sdelay $0x3  }
0x96: {  	_ =	strace s2  }
0x97: {  	_ =	strace $0x8FFFFFFF  }
0x98: {  	s20 =	sld [smem:$0x3FDB];
	_ =	sdelay $0x1  }
0x99: {  	s4 =	simm.s32 $_scs_section_size  }
0x9a: {  	s5 =	simm.s32 $_size__tile_overlayer_lowered;
	s6 =	simm.s32 $_tile_overlayer_lowered  }
0x9b: {  	s7 =	simm.s32 $0x1BFF;
	s21 =	sshll.u32 s6, $0x1;
	s4 =	sadd.s32 s4, s20  }
0x9c: {  	s22 =	simm.s32 $0x0;
	s5 =	sshll.u32 s5, $0x1;
	s6 =	sadd.s32 s21, s4  }
0x9d: {  	[timem:s22], [sflag:s7] =	dma.local [hbm:s6], s5  }
0x9e: {  	_ =	swait.ge [sflag:s7], s5  }
0x9f: {  	s5 =	ssub.s32 $0x0, s5;
	[sflag:s7] =	ssyncset.done $0x0  }
0xa0: {  	[sflag:s7] =	ssyncadd.s32 s5;
	_ =	sdelay $0x1  }
0xa1: {  	s23 =	simm.s32 $0x1B8B  }
0xa2: {  	_ =	swait.ge [sflag:s23], $0x1  }
0xa3: {  	[sflag:s23] =	ssyncset.done $0x0  }
0xa4: {  	[sflag:s23] =	ssyncadd.s32 $0xFFFFFFFF  }
0xa5: {  	s5 =	sld [smem:$0x0]  }
0xa6: {  	s6 =	sand.u32 $0xFFFFFFFE, s1  }
0xa7: {  	p0 =	sne.s32 s1, s6  }
0xa8: {  	s6 =	sshll.u32 @p0 s6, $0xE  }
0xa9: {  	s6 =	sadd.s32 @p0 $0x11B8D, s6;
	s7 =	sshll.u32 @p0 s5, $0x11  }
0xaa: {  	s6 =	sor.u32 @p0 s7, s6  }
0xab: {  	[sflag:s6] =	ssyncadd.remote.s32 @p0 $0x1;
	_ =	sdelay $0x1  }
0xac: {  	s6 =	simm.s32 @p0 $0x1B8D  }
0xad: {  	_ =	swait.eq @p0 [sflag:s6], $0x1  }
0xae: {  	[sflag:s6] =	ssyncadd.s32 @p0 $0xFFFFFFFF  }
0xaf: {  	s7 =	sshll.u32 @!p0 s1, $0xE  }
0xb0: {  	s7 =	sor.u32 @!p0 $0x4000, s7;
	s6 =	simm.s32 @!p0 $0x1B8D  }
0xb1: {  	s5 =	sshll.u32 @!p0 s5, $0x11;
	s7 =	sadd.s32 @!p0 $0x11B8D, s7;
	_ =	swait.eq @!p0 [sflag:s6], $0x1  }
0xb2: {  	s5 =	sor.u32 @!p0 s5, s7;
	[sflag:s6] =	ssyncadd.s32 @!p0 $0xFFFFFFFF  }
0xb3: {  	s25 =	simm.s32 $0x1B8E;
	s24 =	sld [smem:$0x3FFE];
	[sflag:s5] =	ssyncadd.remote.s32 @!p0 $0x1  }
0xb4: {  	s26 =	simm.s32 $execute0_lowered;
	[smem:$0x3FD2] =	sst s25  }
0xb5: {  	s6 =	sshll.u32 s26, $0x1;
	_ =	strace $0x80000049;
	[dreg:$0x1] =	wrdreg $0xFFFFFFFF  }
0xb6: {  	s28 =	simm.s32 $_size_execute0_lowered;
	s4 =	sadd.s32 s4, s6;
	[dreg:$0x0] =	wrdreg $0x0  }
0xb7: {  	s6 =	sshll.u32 s28, $0x1;
	[dreg:$0x2] =	wrdreg s4  }
0xb8: {  	[dreg:$0x3] =	wrdreg s6  }
0xb9: {  	[dreg:$0x4] =	wrdreg $0xC0  }
0xba: {  	_ =	task [dreg:s22], $0x5FFFF  }
0xbb: {  	[dreg:$0x1] =	wrdreg $0xFFFFFFFF  }
0xbc: {  	[dreg:$0x0] =	wrdreg $0x60  }
0xbd: {  	[dreg:$0x2] =	wrdreg s18  }
0xbe: {  	[dreg:$0x3] =	wrdreg s24  }
0xbf: {  	[dreg:$0x4] =	wrdreg $0xA  }
0xc0: {  	_ =	task.clear_ibuf [dreg:s22], $0x5FFFF;
	_ =	strace $0x90000049  }
0xc1: {  	s29 =	simm.s32 $0xA;
	_ =	strace $0x8000004B  }
0xc2: {  	_ =	swait.ge [sflag:s29], $0x1  }
0xc3: {  	[sflag:s29] =	ssyncadd.s32 $0xFFFFFFFF  }
0xc4: {  	_ =	strace $0x9000004B  }
0xc5: {  	_ =	sfence  }
0xc6: {  	s30 =	sld [smem:$0x0];
	_ =	sdelay $0x2  }
0xc7: {  	s31 =	sshll.u32 s1, $0xD;
	s1 =	sshrl.u32 s1, $0x2  }
0xc8: {  	s4 =	sand.u32 $0x4000, s31;
	s1 =	sadd.s32 s1, s30  }
0xc9: {  	s0 =	sor.u32 s4, s0;
	s1 =	sshll.u32 s1, $0x11  }
0xca: {  	s0 =	sor.u32 s1, s0  }
0xcb: {  	s0 =	sadd.s32 $0x8F2B, s0  }
0xcc: {  	[sflag:s0] =	ssyncadd.remote.s32 $0x1  }
0xcd: {  	_ =	sfence.sel $0xFFFF  }
0xce: {  	[dreg:$0x0] =	wrdreg $0xFFFFFFFF;
	(pc) =	sbr.abs _section_cstart, $3  }
0xcf: {  	[dreg:$0x1] =	wrdreg $0xFFFFFFFF  }
0xd0: {  	_ =	task.clear_ibuf [dreg:s22], $0x2FFFF;
	_ =	strace $0x9FFFFFFF  }
0xd1: {  	(tm) =	ssettm $0x7FFFFFFF  }
tec
execute0_lowered:
.L_overlay_start_1:
0x0: {  	(tag) =	ssettag $0x1  }
0x1: {  	s2 =	rddreg [dreg:$0x0]  }
0x2: {  	s7 =	rddreg [dreg:$0x1]  }
0x3: {  	s0 =	rddreg [dreg:$0x2]  }
0x4: {  	s1 =	srdreg.scid;
	_ =	strace $0x8000004A;
	s4 =	simm.s32 $0x1  }
0x5: {  	s9 =	simm.s32 $0x3;
	s12 =	simm.s32 $0x0;
	s5 =	sshll.u32 s1, $0x4  }
.Ltmp0:
0x6: {  	s1 =	stileid.u32;
	s5 =	sand.u32 $0x10, s5;
	(pc) =	sbr.rel .LBB2_1-.Ltmp0, $4  }
0x7: {  	s10 =	simm.s32 $0x0;
	s3 =	sadd.s32 $0x20400, s7;
	s6 =	sor.u32 s1, s5  }
0x8: {  	[sflag:s4] =	ssyncpa.u1 $0x0;
	s5 =	simm.s32 $0x2;
	s6 =	sshll.u32 s6, $0x8  }
0x9: {  	s7 =	sadd.s32 $0x20800, s7;
	[sflag:s5] =	ssyncpa.u1 $0x0;
	s8 =	sadd.s32 $0x100, s6  }
0xa: {  	vm0 =	vmmov $0xff;
	vm1 =	vcmask $0x3F20;
	[sflag:s9] =	ssyncpa.u1 $0x0;
	s9 =	simm.s32 $0x100;
	s11 =	smov.u32 s6  }
.LBB2_9:
0xb: {  	p0 =	seq.s32 s10, $0x2  }
.Ltmp1:
0xc: {  	_ = 	snop;
	(pc) =	sbr.rel @p0 .LBB2_11-.Ltmp1, $1  }
0xd: {  	_ =	sdelay $0x3  }
.LBB2_10:
0xe: {  	s12 =	sadd.s32 $0x100, s11  }
0xf: {  	s13 =	smov.u32 s6;
	p0 =	slt.s32 s12, s8  }
0x10: {  	s13 =	smov.u32 @p0 s12  }
0x11: {  	s10 =	sadd.s32 $0x1, s10;
	s12 =	smov.u32 s11;
	s11 =	smov.u32 s13  }
.LBB2_1:
0x12: {  	p0 =	sne.s32 s10, $0x0  }
.Ltmp2:
0x13: {  	_ = 	snop;
	(pc) =	sbr.rel @!p0 .LBB2_2-.Ltmp2, $1  }
0x14: {  	_ =	sdelay $0x3  }
0x15: {  	s13 =	sand.u32 $0x1, s10  }
0x16: {  	p0 =	seq.s32 s13, $0x0  }
.Ltmp3:
0x17: {  	_ = 	snop;
	(pc) =	sbr.rel @p0 .LBB2_9-.Ltmp3, $1  }
0x18: {  	_ =	sdelay $0x3  }
0x19: {  	_ =	swait.ge [sflag:s5], $0x100  }
0x1a: {  	[sflag:s5] =	ssyncset.done $0x0  }
0x1b: {  	s13 =	simm.s32 $0x0;
	[sflag:s5] =	ssyncadd.s32 $0xFFFFFF00  }
0x1c: {  	v0 =	vld.msk [tilespmem:s13+$0x100 ss:$0x1], $0xffff;
	_ =	sdelay $0x4  }
0x1d: {  	vm2 =	vgt.s32 v0, $0x0  }
0x1e: {  	v0 =	vnsel vm2, $0x0, v0  }
0x1f: {  	v0 =	vmin.u32 v0, $0x1FFF  }
0x20: {  	v0 =	vshll.u32 v0, $0x4;
	_ =	sdelay $0x3  }
0x21: {  	s13 =	simm.s32 $0x8200  }
0x22: {  	[tilespmem:s13], [sflag:$0x1] =	stream.indirect_vreg.gather [hbm:s2], $0x80, v0, vm0, $0x38;
	[tilespmem:$0x10200] =	vst v63  }
0x23: {  	s14 =	simm.s32 $0x8600;
	s31 =	simm.s32 $0x10  }
0x24: {  	[tilespmem:s14], [sflag:$0x1] =	stream.indirect_vreg.gather [hbm:s2], $0x80, v0, vm1, $0x38;
	[tilespmem:$0x10200] =	vst v63  }
0x25: {  	s14 =	simm.s32 $0x80;
	v0 =	vld.msk [tilespmem:s31+$0x100 ss:$0x1], $0xffff  }
.LBB2_5:
0x26: {  	p0 =	sne.s32 s14, $0x3C0;
	_ =	sdelay $0x4  }
0x27: {  	vm2 =	vgt.s32 v0, $0x0  }
0x28: {  	v0 =	vnsel vm2, $0x0, v0  }
0x29: {  	v0 =	vmin.u32 v0, $0x1FFF  }
0x2a: {  	v0 =	vshll.u32 v0, $0x4;
	_ =	sdelay $0x3  }
.Ltmp4:
0x2b: {  	s13 =	sadd.s32 $0x800, s13;
	(pc) =	sbr.rel @p0 .LBB2_5-.Ltmp4, $4  }
0x2c: {  	[tilespmem:s13], [sflag:$0x1] =	stream.indirect_vreg.gather [hbm:s2], $0x80, v0, vm0, $0x38;
	[tilespmem:$0x10200] =	vst v63  }
0x2d: {  	s15 =	sshra.s32 s14, $0x2;
	s16 =	sadd.s32 $0x400, s13  }
0x2e: {  	[tilespmem:s16], [sflag:$0x1] =	stream.indirect_vreg.gather [hbm:s2], $0x80, v0, vm1, $0x38;
	[tilespmem:$0x10200] =	vst v63  }
0x2f: {  	s14 =	sadd.s32 $0x40, s14;
	v0 =	vld.msk [tilespmem:s15+$0x100 ss:$0x1], $0xffff  }
0x30: {  	_ =	sdelay $0x3  }
0x31: {  	vm2 =	vgt.s32 v0, $0x0  }
0x32: {  	v0 =	vnsel vm2, $0x0, v0  }
0x33: {  	v0 =	vmin.u32 v0, $0x1FFF  }
0x34: {  	v0 =	vshll.u32 v0, $0x4;
	_ =	sdelay $0x3  }
0x35: {  	s13 =	sadd.s32 $0x800, s13  }
0x36: {  	[tilespmem:s13], [sflag:$0x1] =	stream.indirect_vreg.gather [hbm:s2], $0x80, v0, vm0, $0x38;
	[tilespmem:$0x10200] =	vst v63  }
0x37: {  	s13 =	sadd.s32 $0x400, s13  }
0x38: {  	[tilespmem:s13], [sflag:$0x1] =	stream.indirect_vreg.gather [hbm:s2], $0x80, v0, vm1, $0x38;
	[tilespmem:$0x10200] =	vst v63  }
0x39: {  	s12 =	sshll.u32 s12, $0x4;
	s14 =	simm.s32 $0x80;
	_ =	swait.ge [sflag:s4], $0x8000  }
0x3a: {  	s15 =	simm.s32 $0x8600;
	s12 =	sadd.s32 s12, s7;
	[sflag:s4] =	ssyncset.done $0x0  }
0x3b: {  	s16 =	sadd.s32 $0x0, s12;
	s13 =	simm.s32 $0x8200;
	[sflag:s4] =	ssyncadd.s32 $0xFFFF8000  }
.LBB2_7:
0x3c: {  	[hbm:s16] =	stream.linear.scatter [tilespmem:s13], [sflag:$0x3], $0x400, $0x38;
	[tilespmem:$0x10200] =	vst v63  }
0x3d: {  	s16 =	smov.u32 s14;
	s13 =	smov.u32 s15;
	p0 =	sne.s32 s14, $0xF80  }
.Ltmp5:
0x3e: {  	s14 =	sadd.s32 $0x80, s14;
	(pc) =	sbr.rel @p0 .LBB2_7-.Ltmp5, $2  }
0x3f: {  	_ =	sdelay $0x2  }
0x40: {  	s15 =	sadd.s32 $0x400, s15;
	s16 =	sadd.s32 s16, s12  }
.Ltmp6:
0x41: {  	(pc) =	sbr.rel .LBB2_9-.Ltmp6, $2  }
0x42: {  	_ =	sdelay $0x2  }
0x43: {  	[hbm:s16] =	stream.linear.scatter [tilespmem:s13], [sflag:$0x3], $0x400, $0x38;
	[tilespmem:$0x10200] =	vst v63  }
.LBB2_2:
.Ltmp7:
0x44: {  	(pc) =	sbr.rel .LBB2_10-.Ltmp7, $4  }
0x45: {  	_ = 	snop  }
0x46: {  	s12 =	sshrl.u32 s11, $0x3  }
0x47: {  	s13 =	sand.u32 $0x7, s11;
	s12 =	sadd.s32 s3, s12  }
0x48: {  	[tilespmem:s9], [sflag:$0x2] =	stream.linear.gather [hbm4b:s12+s13], $0x100, $0x38;
	[tilespmem:$0x10200] =	vst v63  }
.LBB2_11:
0x49: {  	s2 =	simm.s32 $0x3  }
0x4a: {  	_ =	swait.ge [sflag:s2], $0x8000  }
0x4b: {  	[sflag:s2] =	ssyncset.done $0x0  }
0x4c: {  	[sflag:s2] =	ssyncadd.s32 $0xFFFF8000  }
0x4d: {  	_ =	sfence.sel $0x180000  }
0x4e: {  	s3 =	simm.s32 $0x2;
	[bflag:$0x0] =	sbarrier.arrive $0xFFFF  }
0x4f: {  	[sflag:s3] =	ssyncpa.u1 $0x1  }
0x50: {  	s31 =	simm.s32 $0x1;
	[sflag:s2] =	ssyncpa.u1 $0x1  }
0x51: {  	[sflag:s31] =	ssyncpa.u1 $0x1  }
0x52: {  	p0 =	sne.s32 s1, $0x0;
	_ =	strace $0x9000004A  }
0x53: {  	s0 =	sadd.s32 @!p0 $0x100000, s0;
	[bflag:$0x2] =	sbarrier.arrive $0xFFFF  }
0x54: {  	[sflag:s0] =	ssyncadd.tile.s32 @!p0 $0x1;
	_ =	shalt  }
.Lfunc_end2:
_tile_overlayer_lowered:
.L_overlay_start_2:
0x55: {  	(tag) =	ssettag $0x2  }
0x56: {  	s0 =	rddreg [dreg:$0x0];
	s2 =	stileid.u32  }
0x57: {  	s1 =	rddreg [dreg:$0x1];
	p0 =	sne.s32 s2, $0x0  }
0x58: {  	s3 =	rddreg [dreg:$0x2];
	[bflag:$0x3] =	sbarrier.arrive $0xFFFF;
	s2 =	simm.s32 @!p0 $0x1C01  }
0x59: {  	[timem:s3], [sflag:s2] =	dma.local @!p0 [hbm:s0], s1  }
0x5a: {  	s0 =	simm.s32 @!p0 $0x1  }
0x5b: {  	_ =	swait.ge @!p0 [sflag:s0], s1  }
0x5c: {  	s1 =	ssub.s32 @!p0 $0x0, s1;
	[sflag:s0] =	ssyncset.done @!p0 $0x0  }
0x5d: {  	[sflag:s0] =	ssyncadd.s32 @!p0 s1  }
0x5e: {  	[bflag:$0x3] =	sbarrier.arrive $0xFFFF  }
0x5f: {  	_ =	shalt  }

// kernel: gather_offload_async_start
scs
__scs_entry_jumppad:
0x0: {  	(pc) =	sbr.rel $0x88, $3  }
0x1: {  	(tag) =	ssettag $0x0;
	lr =	simm.s32 $0x1  }
0x2: {  	[smem:$0x3F9D] =	sst lr;
	_ =	strace $0xD0000000  }
0x3: {  	_ = 	snop  }
0x4: {  	_ = 	snop  }
0x5: {  	_ = 	snop  }
0x6: {  	_ = 	snop  }
0x7: {  	_ = 	snop  }
__scs_overlays_trampoline_lowered:
0x8: {  	[smem:$0x3FAC] =	sst s0  }
0x9: {  	[smem:$0x3FAD] =	sst s1  }
0xa: {  	[smem:$0x3FAE] =	sst s2  }
0xb: {  	[smem:$0x3FAF] =	sst s3  }
0xc: {  	[smem:$0x3FB0] =	sst s4  }
0xd: {  	[smem:$0x3FB1] =	sst s5  }
0xe: {  	[smem:$0x3FB2] =	sst s6  }
0xf: {  	[smem:$0x3FB3] =	sst s7  }
0x10: {  	[smem:$0x3FB4] =	sst s8  }
0x11: {  	[smem:$0x3FB5] =	sst s9;
	s0 =	simm.s32 @!p0 $0x0  }
0x12: {  	s1 =	sld [smem:$0x3F9B];
	s0 =	simm.s32 @p0 $0x1  }
0x13: {  	[smem:$0x3FB6] =	sst s0;
	s0 =	simm.s32 @!p1 $0x0  }
0x14: {  	s2 =	sld [smem:$0x3F9A];
	s0 =	simm.s32 @p1 $0x1  }
0x15: {  	[smem:$0x3FB7] =	sst s0;
	s0 =	simm.s32 @!p2 $0x0  }
0x16: {  	s3 =	sld [smem:$0x3FDB];
	s0 =	simm.s32 @p2 $0x1  }
0x17: {  	s4 =	simm.s32 $0x1BF5;
	[smem:$0x3FB9] =	sst s0  }
0x18: {  	s0 =	sld [smem:$0x3F9C];
	_ =	swait.ge [sflag:s4], $0x0  }
0x19: {  	s7 =	sld [smem:$0x3F9D]  }
0x1a: {  	s8 =	sadd.s32 $0xFFFFE003, lr  }
0x1b: {  	s9 =	sadd.s32 $0xFFFFFEF7, lr;
	s5 =	simm.s32 $0xFFFFFFFF;
	p2 =	slt.u32 s8, $0xFFFFF086  }
0x1c: {  	p1 =	slt.u32 s9, $0xF7A;
	s5 =	simm.s32 @!p2 $0x0  }
0x1d: {  	s5 =	simm.s32 @p1 $0x1;
	p0 =	seq.s32 s7, s2  }
0x1e: {  	s7 =	smul.u32 @!p0 $0xF7A, s2;
	p2 =	seq.s32 @!p0 s5, $0x0  }
0x1f: {  	s9 =	smul.u32 $0xF7A, s1;
	s8 =	simm.s32 @!p0 $0x1BF5;
	p2 =	por !p2, p0  }
0x20: {  	[sflag:s8] =	ssyncset.s32 @!p0 $0xFFFFF086;
	s6 =	sadd.s32 @!p0 s3, s7;
	s7 =	simm.s32 @!p0 $0x108  }
0x21: {  	s3 =	sadd.s32 s3, s9;
	s6 =	sadd.s32 @!p0 $0x88, s6;
	s7 =	simm.s32 @p2 $0x1082  }
0x22: {  	[simem:s7], [sflag:s8] =	dma.local @!p0 [hbm:s6], $0xF7A  }
0x23: {  	s9 =	sor.u32 $0xD0000000, s2;
	s6 =	simm.s32 $0x108;
	_ =	swait.ge @!p0 [sflag:s8], $0x0  }
0x24: {  	s3 =	sadd.s32 $0x88, s3;
	s6 =	simm.s32 @!p1 $0x1082;
	[sflag:s4] =	ssyncset.s32 $0xFFFFF086  }
0x25: {  	[simem:s6], [sflag:s4] =	dma.local [hbm:s3], $0xF7A  }
0x26: {  	[smem:$0x3F9D] =	sst s1;
	(tag) =	ssettag s2;
	_ =	strace s9  }
0x27: {  	s1 =	sld [smem:$0x3FAD]  }
0x28: {  	s2 =	sld [smem:$0x3FAE]  }
0x29: {  	s4 =	sld [smem:$0x3FB0]  }
0x2a: {  	p0 =	seq.s32 s5, $0x0;
	s5 =	sld [smem:$0x3FB1]  }
0x2b: {  	s6 =	sld [smem:$0x3FB2]  }
0x2c: {  	s7 =	sld [smem:$0x3FB3]  }
0x2d: {  	s3 =	simm.s32 $0x108;
	s8 =	sld [smem:$0x3FB4]  }
0x2e: {  	s3 =	simm.s32 @!p0 $0x1082;
	s9 =	sld [smem:$0x3FB5]  }
0x2f: {  	lr =	sadd.s32 s0, s3;
	s0 =	sld [smem:$0x3FAC]  }
0x30: {  	s3 =	sld [smem:$0x3FAF]  }
0x31: {  	[smem:$0x3FB8] =	sst s10  }
0x32: {  	s10 =	sld [smem:$0x3FB6];
	_ =	sdelay $0x3  }
0x33: {  	p0 =	seq.s32 s10, $0x1;
	s10 =	sld [smem:$0x3FB8];
	_ =	sdelay $0x3  }
0x34: {  	[smem:$0x3FB8] =	sst s10  }
0x35: {  	s10 =	sld [smem:$0x3FB7];
	_ =	sdelay $0x3  }
0x36: {  	p1 =	seq.s32 s10, $0x1;
	s10 =	sld [smem:$0x3FB8];
	_ =	sdelay $0x3  }
0x37: {  	[smem:$0x3FB8] =	sst s10  }
0x38: {  	s10 =	sld [smem:$0x3FB9]  }
0x39: {  	_ = 	snop;
	(pc) =	sbr.ind lr, $3  }
0x3a: {  	_ = 	snop  }
0x3b: {  	_ = 	snop  }
0x3c: {  	p2 =	seq.s32 s10, $0x1;
	s10 =	sld [smem:$0x3FB8]  }
0x3d: {  	_ =	shalt  }
0x3e: {  	_ =	shalt  }
0x3f: {  	_ =	shalt  }
0x40: {  	_ =	shalt  }
0x41: {  	_ =	shalt  }
0x42: {  	_ =	shalt  }
0x43: {  	_ =	shalt  }
0x44: {  	_ =	shalt  }
0x45: {  	_ =	shalt  }
0x46: {  	_ =	shalt  }
0x47: {  	_ =	shalt  }
0x48: {  	_ =	shalt  }
0x49: {  	_ =	shalt  }
0x4a: {  	_ =	shalt  }
0x4b: {  	_ =	shalt  }
0x4c: {  	_ =	shalt  }
0x4d: {  	_ =	shalt  }
0x4e: {  	_ =	shalt  }
0x4f: {  	_ =	shalt  }
0x50: {  	_ =	shalt  }
0x51: {  	_ =	shalt  }
0x52: {  	_ =	shalt  }
0x53: {  	_ =	shalt  }
0x54: {  	_ =	shalt  }
0x55: {  	_ =	shalt  }
0x56: {  	_ =	shalt  }
0x57: {  	_ =	shalt  }
0x58: {  	_ =	shalt  }
0x59: {  	_ =	shalt  }
0x5a: {  	_ =	shalt  }
0x5b: {  	_ =	shalt  }
0x5c: {  	_ =	shalt  }
0x5d: {  	_ =	shalt  }
0x5e: {  	_ =	shalt  }
0x5f: {  	_ =	shalt  }
0x60: {  	_ =	shalt  }
0x61: {  	_ =	shalt  }
0x62: {  	_ =	shalt  }
0x63: {  	_ =	shalt  }
0x64: {  	_ =	shalt  }
0x65: {  	_ =	shalt  }
0x66: {  	_ =	shalt  }
0x67: {  	_ =	shalt  }
0x68: {  	_ =	shalt  }
0x69: {  	_ =	shalt  }
0x6a: {  	_ =	shalt  }
0x6b: {  	_ =	shalt  }
0x6c: {  	_ =	shalt  }
0x6d: {  	_ =	shalt  }
0x6e: {  	_ =	shalt  }
0x6f: {  	_ =	shalt  }
0x70: {  	_ =	shalt  }
0x71: {  	_ =	shalt  }
0x72: {  	_ =	shalt  }
0x73: {  	_ =	shalt  }
0x74: {  	_ =	shalt  }
0x75: {  	_ =	shalt  }
0x76: {  	_ =	shalt  }
0x77: {  	_ =	shalt  }
0x78: {  	_ =	shalt  }
0x79: {  	_ =	shalt  }
0x7a: {  	_ =	shalt  }
0x7b: {  	_ =	shalt  }
0x7c: {  	_ =	shalt  }
0x7d: {  	_ =	shalt  }
0x7e: {  	_ =	shalt  }
0x7f: {  	_ =	shalt  }
0x80: {  	_ =	shalt  }
0x81: {  	_ =	shalt  }
0x82: {  	_ =	shalt  }
0x83: {  	_ =	shalt  }
0x84: {  	_ =	shalt  }
0x85: {  	_ =	shalt  }
0x86: {  	_ =	shalt  }
0x87: {  	_ =	shalt  }
.Lfunc_end0:
.L_simem_size_0:
called_computation_lowered:
.L_overlay_start_0:
0x88: {  	s2 =	sld [smem:$0x3FD9]  }
0x89: {  	s3 =	sld [smem:$0x3FFE];
	_ =	sdelay $0x1  }
0x8a: {  	s1 =	srdreg.scid  }
0x8b: {  	s0 =	sand.u32 $0x1, s1  }
0x8c: {  	s17 =	sshll.u32 s0, $0xA;
	s2 =	sadd.s32 s3, s2  }
0x8d: {  	s2 =	sadd.s32 s2, s17  }
0x8e: {  	[smem:$0x3FC4] =	sst s2  }
0x8f: {  	_ = 	snop  }
0x90: {  	s2 =	sld [smem:$0x3FC9];
	(tm) =	ssettm $0x1  }
0x91: {  	s18 =	sld [smem:$0x3FFB];
	_ =	sdelay $0x3  }
0x92: {  	_ =	strace s18  }
0x93: {  	s3 =	sld [smem:$0x3FFC];
	_ =	sdelay $0x3  }
0x94: {  	_ =	strace s3  }
0x95: {  	s3 =	sld [smem:$0x3FFD];
	_ =	sdelay $0x3  }
0x96: {  	_ =	strace s3  }
0x97: {  	_ =	strace $0x8FFFFFFF  }
0x98: {  	s19 =	sld [smem:$0x3FDB];
	_ =	sdelay $0x1  }
0x99: {  	s4 =	simm.s32 $_scs_section_size  }
0x9a: {  	s5 =	simm.s32 $_size__tile_overlayer_lowered;
	s6 =	simm.s32 $_tile_overlayer_lowered  }
0x9b: {  	s22 =	simm.s32 $0x1BFF;
	s21 =	sshll.u32 s6, $0x1;
	s3 =	sadd.s32 s4, s19  }
0x9c: {  	s7 =	simm.s32 $0x0;
	s20 =	sshll.u32 s5, $0x1;
	s5 =	sadd.s32 s21, s3  }
0x9d: {  	[timem:s7], [sflag:s22] =	dma.local [hbm:s5], s20  }
0x9e: {  	_ =	swait.ge [sflag:s22], s20  }
0x9f: {  	s4 =	ssub.s32 $0x0, s20;
	[sflag:s22] =	ssyncset.done $0x0  }
0xa0: {  	[sflag:s22] =	ssyncadd.s32 s4;
	_ =	sdelay $0x1  }
0xa1: {  	s23 =	simm.s32 $0x1B8B  }
0xa2: {  	_ =	swait.ge [sflag:s23], $0x1  }
0xa3: {  	[sflag:s23] =	ssyncset.done $0x0  }
0xa4: {  	s25 =	simm.s32 $0x1B8E;
	s24 =	sld [smem:$0x3FFE];
	[sflag:s23] =	ssyncadd.s32 $0xFFFFFFFF  }
0xa5: {  	s26 =	simm.s32 $execute0_lowered;
	[smem:$0x3FD2] =	sst s25  }
0xa6: {  	s5 =	sshll.u32 s26, $0x1;
	_ =	strace $0x80000046;
	[dreg:$0x1] =	wrdreg $0xFFFFFFFF  }
0xa7: {  	s28 =	simm.s32 $_size_execute0_lowered;
	s3 =	sadd.s32 s3, s5;
	[dreg:$0x0] =	wrdreg $0x0  }
0xa8: {  	s5 =	sshll.u32 s28, $0x1;
	[dreg:$0x2] =	wrdreg s3  }
0xa9: {  	[dreg:$0x3] =	wrdreg s5  }
0xaa: {  	[dreg:$0x4] =	wrdreg $0xC0  }
0xab: {  	_ =	task [dreg:s7], $0x5FFFF  }
0xac: {  	[dreg:$0x1] =	wrdreg $0xFFFFFFFF  }
0xad: {  	[dreg:$0x0] =	wrdreg $0x60  }
0xae: {  	[dreg:$0x2] =	wrdreg s2  }
0xaf: {  	[dreg:$0x3] =	wrdreg s24  }
0xb0: {  	[dreg:$0x4] =	wrdreg $0x9  }
0xb1: {  	_ =	task.clear_ibuf [dreg:s7], $0x5FFFF;
	_ =	strace $0x90000046  }
0xb2: {  	s29 =	simm.s32 $0x9;
	_ =	strace $0x80000048  }
0xb3: {  	_ =	swait.ge [sflag:s29], $0x1  }
0xb4: {  	[sflag:s29] =	ssyncadd.s32 $0xFFFFFFFF  }
0xb5: {  	_ =	strace $0x90000048  }
0xb6: {  	_ =	sfence  }
0xb7: {  	s30 =	sld [smem:$0x0];
	_ =	sdelay $0x2  }
0xb8: {  	s31 =	sshll.u32 s1, $0xD;
	s1 =	sshrl.u32 s1, $0x2  }
0xb9: {  	s3 =	sand.u32 $0x4000, s31;
	s1 =	sadd.s32 s1, s30  }
0xba: {  	s0 =	sor.u32 s3, s0;
	s1 =	sshll.u32 s1, $0x11  }
0xbb: {  	s0 =	sor.u32 s1, s0  }
0xbc: {  	s0 =	sadd.s32 $0x8F2B, s0  }
0xbd: {  	[sflag:s0] =	ssyncadd.remote.s32 $0x1  }
0xbe: {  	_ =	sfence.sel $0xFFFF  }
0xbf: {  	[dreg:$0x0] =	wrdreg $0xFFFFFFFF;
	(pc) =	sbr.abs _section_cstart, $3  }
0xc0: {  	[dreg:$0x1] =	wrdreg $0xFFFFFFFF  }
0xc1: {  	_ =	task.clear_ibuf [dreg:s7], $0x2FFFF;
	_ =	strace $0x9FFFFFFF  }
0xc2: {  	(tm) =	ssettm $0x7FFFFFFF  }
0xc3: {  	_ =	shalt  }
tec
execute0_lowered:
.L_overlay_start_1:
0x0: {  	(tag) =	ssettag $0x1  }
0x1: {  	s2 =	rddreg [dreg:$0x0]  }
0x2: {  	s3 =	rddreg [dreg:$0x1]  }
0x3: {  	s0 =	rddreg [dreg:$0x2];
	s1 =	srdreg.scid;
	_ =	strace $0x80000047  }
0x4: {  	s4 =	simm.s32 $0x1;
	s9 =	simm.s32 $0x3;
	s5 =	sshll.u32 s1, $0x4  }
.Ltmp0:
0x5: {  	s1 =	stileid.u32;
	s5 =	sand.u32 $0x10, s5;
	(pc) =	sbr.rel .LBB2_1-.Ltmp0, $4  }
0x6: {  	s12 =	simm.s32 $0x0;
	s10 =	simm.s32 $0x0;
	s6 =	sor.u32 s1, s5  }
0x7: {  	[sflag:s4] =	ssyncpa.u1 $0x0;
	s5 =	simm.s32 $0x2;
	s6 =	sshll.u32 s6, $0x8  }
0x8: {  	s7 =	sadd.s32 $0x400, s3;
	[sflag:s5] =	ssyncpa.u1 $0x0;
	s8 =	sadd.s32 $0x100, s6  }
0x9: {  	vm0 =	vmmov $0xff;
	vm1 =	vcmask $0x3F20;
	[sflag:s9] =	ssyncpa.u1 $0x0;
	s9 =	simm.s32 $0x100;
	s11 =	smov.u32 s6  }
.LBB2_9:
0xa: {  	p0 =	seq.s32 s10, $0x2  }
.Ltmp1:
0xb: {  	_ = 	snop;
	(pc) =	sbr.rel @p0 .LBB2_11-.Ltmp1, $1  }
0xc: {  	_ =	sdelay $0x3  }
.LBB2_10:
0xd: {  	s12 =	sadd.s32 $0x100, s11  }
0xe: {  	s13 =	smov.u32 s6;
	p0 =	slt.s32 s12, s8  }
0xf: {  	s13 =	smov.u32 @p0 s12  }
0x10: {  	s10 =	sadd.s32 $0x1, s10;
	s12 =	smov.u32 s11;
	s11 =	smov.u32 s13  }
.LBB2_1:
0x11: {  	p0 =	sne.s32 s10, $0x0  }
.Ltmp2:
0x12: {  	_ = 	snop;
	(pc) =	sbr.rel @!p0 .LBB2_2-.Ltmp2, $1  }
0x13: {  	_ =	sdelay $0x3  }
0x14: {  	s13 =	sand.u32 $0x1, s10  }
0x15: {  	p0 =	seq.s32 s13, $0x0  }
.Ltmp3:
0x16: {  	_ = 	snop;
	(pc) =	sbr.rel @p0 .LBB2_9-.Ltmp3, $1  }
0x17: {  	_ =	sdelay $0x3  }
0x18: {  	_ =	swait.ge [sflag:s5], $0x100  }
0x19: {  	[sflag:s5] =	ssyncset.done $0x0  }
0x1a: {  	s13 =	simm.s32 $0x0;
	[sflag:s5] =	ssyncadd.s32 $0xFFFFFF00  }
0x1b: {  	v0 =	vld.msk [tilespmem:s13+$0x100 ss:$0x1], $0xffff;
	_ =	sdelay $0x4  }
0x1c: {  	vm2 =	vgt.s32 v0, $0x0  }
0x1d: {  	v0 =	vnsel vm2, $0x0, v0  }
0x1e: {  	v0 =	vmin.u32 v0, $0x1FFF  }
0x1f: {  	v0 =	vshll.u32 v0, $0x4;
	_ =	sdelay $0x3  }
0x20: {  	s13 =	simm.s32 $0x8200  }
0x21: {  	[tilespmem:s13], [sflag:$0x1] =	stream.indirect_vreg.gather [hbm:s2], $0x80, v0, vm0, $0x38;
	[tilespmem:$0x10200] =	vst v63  }
0x22: {  	s14 =	simm.s32 $0x8600;
	s31 =	simm.s32 $0x10  }
0x23: {  	[tilespmem:s14], [sflag:$0x1] =	stream.indirect_vreg.gather [hbm:s2], $0x80, v0, vm1, $0x38;
	[tilespmem:$0x10200] =	vst v63  }
0x24: {  	s14 =	simm.s32 $0x80;
	v0 =	vld.msk [tilespmem:s31+$0x100 ss:$0x1], $0xffff  }
.LBB2_5:
0x25: {  	p0 =	sne.s32 s14, $0x3C0;
	_ =	sdelay $0x4  }
0x26: {  	vm2 =	vgt.s32 v0, $0x0  }
0x27: {  	v0 =	vnsel vm2, $0x0, v0  }
0x28: {  	v0 =	vmin.u32 v0, $0x1FFF  }
0x29: {  	v0 =	vshll.u32 v0, $0x4;
	_ =	sdelay $0x3  }
.Ltmp4:
0x2a: {  	s13 =	sadd.s32 $0x800, s13;
	(pc) =	sbr.rel @p0 .LBB2_5-.Ltmp4, $4  }
0x2b: {  	[tilespmem:s13], [sflag:$0x1] =	stream.indirect_vreg.gather [hbm:s2], $0x80, v0, vm0, $0x38;
	[tilespmem:$0x10200] =	vst v63  }
0x2c: {  	s15 =	sshra.s32 s14, $0x2;
	s16 =	sadd.s32 $0x400, s13  }
0x2d: {  	[tilespmem:s16], [sflag:$0x1] =	stream.indirect_vreg.gather [hbm:s2], $0x80, v0, vm1, $0x38;
	[tilespmem:$0x10200] =	vst v63  }
0x2e: {  	s14 =	sadd.s32 $0x40, s14;
	v0 =	vld.msk [tilespmem:s15+$0x100 ss:$0x1], $0xffff  }
0x2f: {  	_ =	sdelay $0x3  }
0x30: {  	vm2 =	vgt.s32 v0, $0x0  }
0x31: {  	v0 =	vnsel vm2, $0x0, v0  }
0x32: {  	v0 =	vmin.u32 v0, $0x1FFF  }
0x33: {  	v0 =	vshll.u32 v0, $0x4;
	_ =	sdelay $0x3  }
0x34: {  	s13 =	sadd.s32 $0x800, s13  }
0x35: {  	[tilespmem:s13], [sflag:$0x1] =	stream.indirect_vreg.gather [hbm:s2], $0x80, v0, vm0, $0x38;
	[tilespmem:$0x10200] =	vst v63  }
0x36: {  	s13 =	sadd.s32 $0x400, s13  }
0x37: {  	[tilespmem:s13], [sflag:$0x1] =	stream.indirect_vreg.gather [hbm:s2], $0x80, v0, vm1, $0x38;
	[tilespmem:$0x10200] =	vst v63  }
0x38: {  	s12 =	sshll.u32 s12, $0x4;
	s14 =	simm.s32 $0x80;
	_ =	swait.ge [sflag:s4], $0x8000  }
0x39: {  	s15 =	simm.s32 $0x8600;
	s12 =	sadd.s32 s12, s7;
	[sflag:s4] =	ssyncset.done $0x0  }
0x3a: {  	s16 =	sadd.s32 $0x0, s12;
	s13 =	simm.s32 $0x8200;
	[sflag:s4] =	ssyncadd.s32 $0xFFFF8000  }
.LBB2_7:
0x3b: {  	[hbm:s16] =	stream.linear.scatter [tilespmem:s13], [sflag:$0x3], $0x400, $0x38;
	[tilespmem:$0x10200] =	vst v63  }
0x3c: {  	s16 =	smov.u32 s14;
	s13 =	smov.u32 s15;
	p0 =	sne.s32 s14, $0xF80  }
.Ltmp5:
0x3d: {  	s14 =	sadd.s32 $0x80, s14;
	(pc) =	sbr.rel @p0 .LBB2_7-.Ltmp5, $2  }
0x3e: {  	_ =	sdelay $0x2  }
0x3f: {  	s15 =	sadd.s32 $0x400, s15;
	s16 =	sadd.s32 s16, s12  }
.Ltmp6:
0x40: {  	(pc) =	sbr.rel .LBB2_9-.Ltmp6, $2  }
0x41: {  	_ =	sdelay $0x2  }
0x42: {  	[hbm:s16] =	stream.linear.scatter [tilespmem:s13], [sflag:$0x3], $0x400, $0x38;
	[tilespmem:$0x10200] =	vst v63  }
.LBB2_2:
.Ltmp7:
0x43: {  	(pc) =	sbr.rel .LBB2_10-.Ltmp7, $4  }
0x44: {  	_ = 	snop  }
0x45: {  	s12 =	sshrl.u32 s11, $0x3  }
0x46: {  	s13 =	sand.u32 $0x7, s11;
	s12 =	sadd.s32 s3, s12  }
0x47: {  	[tilespmem:s9], [sflag:$0x2] =	stream.linear.gather [hbm4b:s12+s13], $0x100, $0x38;
	[tilespmem:$0x10200] =	vst v63  }
.LBB2_11:
0x48: {  	s2 =	simm.s32 $0x3  }
0x49: {  	_ =	swait.ge [sflag:s2], $0x8000  }
0x4a: {  	[sflag:s2] =	ssyncset.done $0x0  }
0x4b: {  	[sflag:s2] =	ssyncadd.s32 $0xFFFF8000  }
0x4c: {  	_ =	sfence.sel $0x180000  }
0x4d: {  	s3 =	simm.s32 $0x2;
	[bflag:$0x0] =	sbarrier.arrive $0xFFFF  }
0x4e: {  	[sflag:s3] =	ssyncpa.u1 $0x1  }
0x4f: {  	s31 =	simm.s32 $0x1;
	[sflag:s2] =	ssyncpa.u1 $0x1  }
0x50: {  	[sflag:s31] =	ssyncpa.u1 $0x1  }
0x51: {  	p0 =	sne.s32 s1, $0x0;
	_ =	strace $0x90000047  }
0x52: {  	s0 =	sadd.s32 @!p0 $0x100000, s0;
	[bflag:$0x2] =	sbarrier.arrive $0xFFFF  }
0x53: {  	[sflag:s0] =	ssyncadd.tile.s32 @!p0 $0x1;
	_ =	shalt  }
.Lfunc_end2:
_tile_overlayer_lowered:
.L_overlay_start_2:
0x54: {  	(tag) =	ssettag $0x2  }
0x55: {  	s0 =	rddreg [dreg:$0x0];
	s2 =	stileid.u32  }
0x56: {  	s1 =	rddreg [dreg:$0x1];
	p0 =	sne.s32 s2, $0x0  }
0x57: {  	s3 =	rddreg [dreg:$0x2];
	[bflag:$0x3] =	sbarrier.arrive $0xFFFF;
	s2 =	simm.s32 @!p0 $0x1C01  }
0x58: {  	[timem:s3], [sflag:s2] =	dma.local @!p0 [hbm:s0], s1  }
0x59: {  	s0 =	simm.s32 @!p0 $0x1  }
0x5a: {  	_ =	swait.ge @!p0 [sflag:s0], s1  }
0x5b: {  	s1 =	ssub.s32 @!p0 $0x0, s1;
	[sflag:s0] =	ssyncset.done @!p0 $0x0  }
0x5c: {  	[sflag:s0] =	ssyncadd.s32 @!p0 s1  }
0x5d: {  	[bflag:$0x3] =	sbarrier.arrive $0xFFFF  }
0x5e: {  	_ =	shalt  }

</sc_bundles>
